<compile_context>
chip_gen: v7x
topology: tpu7x:2x2x1
jax: 0.10.2.dev20260603
libtpu: 0.0.44.dev20260713+nightly
codegen_flags: <defaults>
</compile_context>

<pallas_src>
import functools

import jax
import jax.numpy as jnp
from jax import lax
from jax.experimental import pallas as pl
from jax.experimental.pallas import tpu as pltpu
from jax.experimental.pallas import tpu_sc as plsc

_info = plsc.get_sparse_core_info()
_NC, _NS, _L = _info.num_cores, _info.num_subcores, _info.num_lanes
_NW = _NC * _NS

_VPI = 2
_UNROLL = 1


def _sample_kernel(chunk, u_hbm, cdf_hbm, tb_hbm, tc_hbm, out_hbm,
                   cdf_v, tb_v, tc_v, u_v, out_v):
    wid = lax.axis_index("s") * _NC + lax.axis_index("c")
    base = wid * chunk
    pltpu.sync_copy(cdf_hbm, cdf_v)
    pltpu.sync_copy(tb_hbm, tb_v)
    pltpu.sync_copy(tc_hbm, tc_v)
    pltpu.sync_copy(u_hbm.at[pl.ds(base, chunk)], u_v)

    lane = jax.lax.iota(jnp.int32, _L)
    lane2048 = lane + 2048

    def splat(i):
        return plsc.load_gather(cdf_v, [(i << 4) + lane])

    c128, c64, c192 = splat(128), splat(64), splat(192)
    zero = jnp.zeros((_L,), jnp.float32)

    @plsc.parallel_loop(0, chunk // (_L * _VPI), unroll=_UNROLL)
    def body(i):
        us = [u_v[pl.ds((i * _VPI + j) * _L, _L)] for j in range(_VPI)]
        p1 = [c128 < u for u in us]
        ms = [jnp.where(p, lane2048, lane) for p in p1]
        v2 = [jnp.where(p, c192, c64) for p in p1]
        ms = [jnp.where(v < u, m + 1024, m) for v, u, m in zip(v2, us, ms)]
        for b in (512, 256, 128, 64, 32, 16):
            cand = [m + b for m in ms]
            vals = [plsc.load_gather(cdf_v, [c]) for c in cand]
            ms = [
                jnp.where(v < u, c, m)
                for v, u, c, m in zip(vals, us, cand, ms)
            ]
        tbs = [plsc.load_gather(tb_v, [m]) for m in ms]
        tcs = [plsc.load_gather(tc_v, [m]) for m in ms]
        for j in range(_VPI):
            out_v[pl.ds((i * _VPI + j) * _L, _L)] = tcs[j] + us[j] * tbs[j]

    pltpu.sync_copy(out_v, out_hbm.at[pl.ds(base, chunk)])


def kernel(u, pdf, cdf, func):
    del pdf
    n = func.shape[0]
    b = u.shape[0]
    chunk = b // _NW
    off = jnp.arange(n, dtype=jnp.float32)
    den = cdf[1:] - cdf[:-1]
    inv_n = jnp.float32(1.0 / n)
    tb = jnp.where(den > 0, 1.0 / jnp.where(den > 0, den, 1.0), 1.0) * inv_n
    tc = off * inv_n - cdf[:-1] * tb
    tb = jnp.repeat(jnp.concatenate([tb[1:], tb[-1:]]), 16)
    tc = jnp.repeat(jnp.concatenate([tc[1:], tc[-1:]]), 16)
    cdf_rep = jnp.repeat(cdf, 16)
    mesh = plsc.VectorSubcoreMesh(core_axis_name="c", subcore_axis_name="s")
    run = pl.kernel(
        functools.partial(_sample_kernel, chunk),
        out_type=jax.ShapeDtypeStruct((b,), jnp.float32),
        mesh=mesh,
        scratch_types=[
            pltpu.VMEM((cdf.shape[0] * 16,), jnp.float32),
            pltpu.VMEM((n * 16,), jnp.float32),
            pltpu.VMEM((n * 16,), jnp.float32),
            pltpu.VMEM((chunk,), jnp.float32),
            pltpu.VMEM((chunk,), jnp.float32),
        ],
        compiler_params=pltpu.CompilerParams(needs_layout_passes=False),
    )
    return run(u, cdf_rep, tb, tc)

# --- scband reference (transcript-rebuilt; emitter-appended) ---
"""Pipeline reference for scband-distribution1d-20306605375627 (READ-ONLY COPY).

The authoritative reference and input builder live on the scoring server;
editing this copy changes nothing except your own understanding.
"""

import jax, jax.numpy as jnp
import numpy as np


def _build_dist():
    # Mirrors Distribution1d.__init__ with data = [1,2,3,4]*64, n = 256
    n = 256
    data = jnp.tile(jnp.array([1.0, 2.0, 3.0, 4.0], dtype=jnp.float32), 64)
    cdf = jnp.concatenate([jnp.zeros((1,), dtype=jnp.float32), jnp.cumsum(data) / n])
    func_int = cdf[-1]
    cdf = cdf / func_int  # func_int = 2.5 > 0, so normalization branch is taken
    return data, cdf


def setup_inputs(seed: int = 0):
    key = jax.random.key(seed)
    B = 1048576
    u = jax.random.uniform(jax.random.fold_in(key, 0), (B,), dtype=jnp.float32)
    pdf = jnp.zeros((B,), dtype=jnp.float32)
    func, cdf = _build_dist()
    return {"u": u, "pdf": pdf, "cdf": cdf, "func": func}


def reference(u, pdf, cdf, func):
    # Vectorized, faithful translation of Distribution1d.sample_continuous:
    #   offset = searchsorted(cdf, u); du = (u - cdf[offset]) / (cdf[offset+1] - cdf[offset])
    #   return (offset + du) / count()
    # The python scalar `if` on the bin width becomes jnp.where; offset is clamped
    # to [0, n-1] so cdf[offset+1] stays in range (torch code would OOB for u ~ 1.0).
    n = func.shape[0]
    offset = jnp.searchsorted(cdf, u, side='left')
    offset = jnp.clip(offset, 0, n - 1)
    c0 = jnp.take(cdf, offset)
    c1 = jnp.take(cdf, offset + 1)
    du = u - c0
    denom = c1 - c0
    denom_safe = jnp.where(denom > 0, denom, jnp.ones_like(denom))
    du = jnp.where(denom > 0, du / denom_safe, du)
    # pdf in the torch code is a dead local reassignment (func[offset]/func_int); it does
    # not affect the return value, so it is not part of the output.
    return (offset.astype(jnp.float32) + du) / n

if __name__ == "__main__":
    import jax
    _d = setup_inputs()
    print(jax.jit(kernel)(*tuple(_d.values())))

</pallas_src>

<mosaic_0001>
#map = affine_map<(d0, d1) -> (0)>
module attributes {stable_mosaic.version = 14 : i64} {
  func.func @_sample_kernel(%arg0: i32, %arg1: i32, %arg2: memref<1048576xf32, #tpu.memory_space<hbm>>, %arg3: memref<4112xf32, #tpu.memory_space<hbm>>, %arg4: memref<4096xf32, #tpu.memory_space<hbm>>, %arg5: memref<4096xf32, #tpu.memory_space<hbm>>, %arg6: memref<1048576xf32, #tpu.memory_space<hbm>>, %arg7: memref<4112xf32, #tpu.memory_space<vmem>>, %arg8: memref<4096xf32, #tpu.memory_space<vmem>>, %arg9: memref<4096xf32, #tpu.memory_space<vmem>>, %arg10: memref<32768xf32, #tpu.memory_space<vmem>>, %arg11: memref<32768xf32, #tpu.memory_space<vmem>>) attributes {dimension_semantics = [#tpu.dimension_semantics<core_parallel>, #tpu.dimension_semantics<subcore_parallel>], iteration_bounds = array<i64: 2, 16>, scalar_prefetch = 0 : i64, scratch_operands = 5 : i64, tpu.core_type = #tpu.core_type<sc_vector_subcore>, window_params = [{transform_indices = #map}, {transform_indices = #map}, {transform_indices = #map}, {transform_indices = #map}, {transform_indices = #map}]} {
    %mul3A = arith.constant 2 : i32
    %mul3A_0 = arith.muli %arg1, %mul3A : i32
    %add3A = arith.addi %mul3A_0, %arg0 : i32
    %mul3A_1 = arith.constant 32768 : i32
    %mul3A_2 = arith.muli %add3A, %mul3A_1 : i32
    "tpu.region"() ({
      %run_scoped3A = tpu.sem_alloc : memref<!tpu.dma_semaphore, #tpu.memory_space<semaphore_mem>>
      tpu.enqueue_dma source(%arg3 : memref<4112xf32, #tpu.memory_space<hbm>>) target(%arg7 : memref<4112xf32, #tpu.memory_space<vmem>>) target_semaphore(%run_scoped3A : memref<!tpu.dma_semaphore, #tpu.memory_space<semaphore_mem>>)
      tpu.wait_dma2 semaphore(%run_scoped3A : memref<!tpu.dma_semaphore, #tpu.memory_space<semaphore_mem>>) src(%arg3 : memref<4112xf32, #tpu.memory_space<hbm>>) dst(%arg7 : memref<4112xf32, #tpu.memory_space<vmem>>)
      tpu.yield
    }) : () -> ()
    "tpu.region"() ({
      %run_scoped3A = tpu.sem_alloc : memref<!tpu.dma_semaphore, #tpu.memory_space<semaphore_mem>>
      tpu.enqueue_dma source(%arg4 : memref<4096xf32, #tpu.memory_space<hbm>>) target(%arg8 : memref<4096xf32, #tpu.memory_space<vmem>>) target_semaphore(%run_scoped3A : memref<!tpu.dma_semaphore, #tpu.memory_space<semaphore_mem>>)
      tpu.wait_dma2 semaphore(%run_scoped3A : memref<!tpu.dma_semaphore, #tpu.memory_space<semaphore_mem>>) src(%arg4 : memref<4096xf32, #tpu.memory_space<hbm>>) dst(%arg8 : memref<4096xf32, #tpu.memory_space<vmem>>)
      tpu.yield
    }) : () -> ()
    "tpu.region"() ({
      %run_scoped3A = tpu.sem_alloc : memref<!tpu.dma_semaphore, #tpu.memory_space<semaphore_mem>>
      tpu.enqueue_dma source(%arg5 : memref<4096xf32, #tpu.memory_space<hbm>>) target(%arg9 : memref<4096xf32, #tpu.memory_space<vmem>>) target_semaphore(%run_scoped3A : memref<!tpu.dma_semaphore, #tpu.memory_space<semaphore_mem>>)
      tpu.wait_dma2 semaphore(%run_scoped3A : memref<!tpu.dma_semaphore, #tpu.memory_space<semaphore_mem>>) src(%arg5 : memref<4096xf32, #tpu.memory_space<hbm>>) dst(%arg9 : memref<4096xf32, #tpu.memory_space<vmem>>)
      tpu.yield
    }) : () -> ()
    "tpu.region"() ({
      %run_scoped3A = tpu.sem_alloc : memref<!tpu.dma_semaphore, #tpu.memory_space<semaphore_mem>>
      %dma_start3A = tpu.memref_slice %arg2[%mul3A_2] : memref<1048576xf32, #tpu.memory_space<hbm>> -> memref<32768xf32, #tpu.memory_space<hbm>>
      %dma_start3A_20 = tpu.memref_slice %arg2[%mul3A_2] : memref<1048576xf32, #tpu.memory_space<hbm>> -> memref<32768xf32, #tpu.memory_space<hbm>>
      tpu.enqueue_dma source(%dma_start3A_20 : memref<32768xf32, #tpu.memory_space<hbm>>) target(%arg10 : memref<32768xf32, #tpu.memory_space<vmem>>) target_semaphore(%run_scoped3A : memref<!tpu.dma_semaphore, #tpu.memory_space<semaphore_mem>>)
      %dma_wait3A = tpu.memref_slice %arg2[%mul3A_2] : memref<1048576xf32, #tpu.memory_space<hbm>> -> memref<32768xf32, #tpu.memory_space<hbm>>
      %dma_wait3A_21 = tpu.memref_slice %arg2[%mul3A_2] : memref<1048576xf32, #tpu.memory_space<hbm>> -> memref<32768xf32, #tpu.memory_space<hbm>>
      tpu.wait_dma2 semaphore(%run_scoped3A : memref<!tpu.dma_semaphore, #tpu.memory_space<semaphore_mem>>) src(%dma_wait3A_21 : memref<32768xf32, #tpu.memory_space<hbm>>) dst(%arg10 : memref<32768xf32, #tpu.memory_space<vmem>>)
      tpu.yield
    }) : () -> ()
    %iota3A = tpu.iota {dimensions = array<i32: 0>} : vector<16xi32>
    %add3A_3 = arith.constant 2048 : i32
    %add3A_4 = vector.broadcast %add3A_3 : i32 to vector<16xi32>
    %add3A_5 = arith.addi %iota3A, %add3A_4 : vector<16xi32>
    %add3A_6 = arith.constant 2048 : i32
    %add3A_7 = vector.broadcast %add3A_6 : i32 to vector<16xi32>
    %add3A_8 = arith.addi %add3A_7, %iota3A : vector<16xi32>
    %gather3A = tpu.vector_load_idx %arg7[%add3A_8] : memref<4112xf32, #tpu.memory_space<vmem>>[vector<16xi32>], vector<16xf32>,
    %add3A_9 = arith.constant 1024 : i32
    %add3A_10 = vector.broadcast %add3A_9 : i32 to vector<16xi32>
    %add3A_11 = arith.addi %add3A_10, %iota3A : vector<16xi32>
    %gather3A_12 = tpu.vector_load_idx %arg7[%add3A_11] : memref<4112xf32, #tpu.memory_space<vmem>>[vector<16xi32>], vector<16xf32>,
    %add3A_13 = arith.constant 3072 : i32
    %add3A_14 = vector.broadcast %add3A_13 : i32 to vector<16xi32>
    %add3A_15 = arith.addi %add3A_14, %iota3A : vector<16xi32>
    %gather3A_16 = tpu.vector_load_idx %arg7[%add3A_15] : memref<4112xf32, #tpu.memory_space<vmem>>[vector<16xi32>], vector<16xf32>,
    %broadcast_in_dim3A = arith.constant 0.000000e+00 : f32
    %broadcast_in_dim3A_17 = vector.broadcast %broadcast_in_dim3A : f32 to vector<16xf32>
    %parallel_loop3A = arith.constant 0 : i32
    %parallel_loop3A_18 = arith.constant 1024 : i32
    %parallel_loop3A_19 = arith.constant 1 : i32
    scf.for %parallel_loop3A_20 = %parallel_loop3A to %parallel_loop3A_18 step %parallel_loop3A_19  : i32 {
      %parallel_loop3A_21 = arith.constant 2 : i32
      %parallel_loop3A_22 = arith.muli %parallel_loop3A_20, %parallel_loop3A_21 : i32
      %parallel_loop3A_23 = arith.constant 0 : i32
      %parallel_loop3A_24 = arith.addi %parallel_loop3A_22, %parallel_loop3A_23 : i32
      %parallel_loop3A_25 = arith.constant 16 : i32
      %parallel_loop3A_26 = arith.muli %parallel_loop3A_24, %parallel_loop3A_25 : i32
      %parallel_loop3A_27 = arith.index_cast %parallel_loop3A_26 : i32 to index
      %parallel_loop3A_28 = tpu.vector_load %arg10[%parallel_loop3A_27] {strides = array<i32>} : memref<32768xf32, #tpu.memory_space<vmem>>, vector<16xf32>,
      %parallel_loop3A_29 = arith.constant 2 : i32
      %parallel_loop3A_30 = arith.muli %parallel_loop3A_20, %parallel_loop3A_29 : i32
      %parallel_loop3A_31 = arith.constant 1 : i32
      %parallel_loop3A_32 = arith.addi %parallel_loop3A_30, %parallel_loop3A_31 : i32
      %parallel_loop3A_33 = arith.constant 16 : i32
      %parallel_loop3A_34 = arith.muli %parallel_loop3A_32, %parallel_loop3A_33 : i32
      %parallel_loop3A_35 = arith.index_cast %parallel_loop3A_34 : i32 to index
      %parallel_loop3A_36 = tpu.vector_load %arg10[%parallel_loop3A_35] {strides = array<i32>} : memref<32768xf32, #tpu.memory_space<vmem>>, vector<16xf32>,
      %parallel_loop3A_37 = arith.cmpf olt, %gather3A, %parallel_loop3A_28 : vector<16xf32>
      %parallel_loop3A_38 = arith.cmpf olt, %gather3A, %parallel_loop3A_36 : vector<16xf32>
      %parallel_loop3A_39 = arith.select %parallel_loop3A_37, %add3A_5, %iota3A : vector<16xi1>, vector<16xi32>
      %parallel_loop3A_40 = arith.select %parallel_loop3A_38, %add3A_5, %iota3A : vector<16xi1>, vector<16xi32>
      %parallel_loop3A_41 = arith.select %parallel_loop3A_37, %gather3A_16, %gather3A_12 : vector<16xi1>, vector<16xf32>
      %parallel_loop3A_42 = arith.select %parallel_loop3A_38, %gather3A_16, %gather3A_12 : vector<16xi1>, vector<16xf32>
      %parallel_loop3A_43 = arith.cmpf olt, %parallel_loop3A_41, %parallel_loop3A_28 : vector<16xf32>
      %parallel_loop3A_44 = arith.constant 1024 : i32
      %parallel_loop3A_45 = vector.broadcast %parallel_loop3A_44 : i32 to vector<16xi32>
      %parallel_loop3A_46 = arith.addi %parallel_loop3A_39, %parallel_loop3A_45 : vector<16xi32>
      %parallel_loop3A_47 = arith.select %parallel_loop3A_43, %parallel_loop3A_46, %parallel_loop3A_39 : vector<16xi1>, vector<16xi32>
      %parallel_loop3A_48 = arith.cmpf olt, %parallel_loop3A_42, %parallel_loop3A_36 : vector<16xf32>
      %parallel_loop3A_49 = arith.constant 1024 : i32
      %parallel_loop3A_50 = vector.broadcast %parallel_loop3A_49 : i32 to vector<16xi32>
      %parallel_loop3A_51 = arith.addi %parallel_loop3A_40, %parallel_loop3A_50 : vector<16xi32>
      %parallel_loop3A_52 = arith.select %parallel_loop3A_48, %parallel_loop3A_51, %parallel_loop3A_40 : vector<16xi1>, vector<16xi32>
      %parallel_loop3A_53 = arith.constant 512 : i32
      %parallel_loop3A_54 = vector.broadcast %parallel_loop3A_53 : i32 to vector<16xi32>
      %parallel_loop3A_55 = arith.addi %parallel_loop3A_47, %parallel_loop3A_54 : vector<16xi32>
      %parallel_loop3A_56 = arith.constant 512 : i32
      %parallel_loop3A_57 = vector.broadcast %parallel_loop3A_56 : i32 to vector<16xi32>
      %parallel_loop3A_58 = arith.addi %parallel_loop3A_52, %parallel_loop3A_57 : vector<16xi32>
      %parallel_loop3A_59 = tpu.vector_load_idx %arg7[%parallel_loop3A_55] : memref<4112xf32, #tpu.memory_space<vmem>>[vector<16xi32>], vector<16xf32>,
      %parallel_loop3A_60 = tpu.vector_load_idx %arg7[%parallel_loop3A_58] : memref<4112xf32, #tpu.memory_space<vmem>>[vector<16xi32>], vector<16xf32>,
      %parallel_loop3A_61 = arith.cmpf olt, %parallel_loop3A_59, %parallel_loop3A_28 : vector<16xf32>
      %parallel_loop3A_62 = arith.select %parallel_loop3A_61, %parallel_loop3A_55, %parallel_loop3A_47 : vector<16xi1>, vector<16xi32>
      %parallel_loop3A_63 = arith.cmpf olt, %parallel_loop3A_60, %parallel_loop3A_36 : vector<16xf32>
      %parallel_loop3A_64 = arith.select %parallel_loop3A_63, %parallel_loop3A_58, %parallel_loop3A_52 : vector<16xi1>, vector<16xi32>
      %parallel_loop3A_65 = arith.constant 256 : i32
      %parallel_loop3A_66 = vector.broadcast %parallel_loop3A_65 : i32 to vector<16xi32>
      %parallel_loop3A_67 = arith.addi %parallel_loop3A_62, %parallel_loop3A_66 : vector<16xi32>
      %parallel_loop3A_68 = arith.constant 256 : i32
      %parallel_loop3A_69 = vector.broadcast %parallel_loop3A_68 : i32 to vector<16xi32>
      %parallel_loop3A_70 = arith.addi %parallel_loop3A_64, %parallel_loop3A_69 : vector<16xi32>
      %parallel_loop3A_71 = tpu.vector_load_idx %arg7[%parallel_loop3A_67] : memref<4112xf32, #tpu.memory_space<vmem>>[vector<16xi32>], vector<16xf32>,
      %parallel_loop3A_72 = tpu.vector_load_idx %arg7[%parallel_loop3A_70] : memref<4112xf32, #tpu.memory_space<vmem>>[vector<16xi32>], vector<16xf32>,
      %parallel_loop3A_73 = arith.cmpf olt, %parallel_loop3A_71, %parallel_loop3A_28 : vector<16xf32>
      %parallel_loop3A_74 = arith.select %parallel_loop3A_73, %parallel_loop3A_67, %parallel_loop3A_62 : vector<16xi1>, vector<16xi32>
      %parallel_loop3A_75 = arith.cmpf olt, %parallel_loop3A_72, %parallel_loop3A_36 : vector<16xf32>
      %parallel_loop3A_76 = arith.select %parallel_loop3A_75, %parallel_loop3A_70, %parallel_loop3A_64 : vector<16xi1>, vector<16xi32>
      %parallel_loop3A_77 = arith.constant 128 : i32
      %parallel_loop3A_78 = vector.broadcast %parallel_loop3A_77 : i32 to vector<16xi32>
      %parallel_loop3A_79 = arith.addi %parallel_loop3A_74, %parallel_loop3A_78 : vector<16xi32>
      %parallel_loop3A_80 = arith.constant 128 : i32
      %parallel_loop3A_81 = vector.broadcast %parallel_loop3A_80 : i32 to vector<16xi32>
      %parallel_loop3A_82 = arith.addi %parallel_loop3A_76, %parallel_loop3A_81 : vector<16xi32>
      %parallel_loop3A_83 = tpu.vector_load_idx %arg7[%parallel_loop3A_79] : memref<4112xf32, #tpu.memory_space<vmem>>[vector<16xi32>], vector<16xf32>,
      %parallel_loop3A_84 = tpu.vector_load_idx %arg7[%parallel_loop3A_82] : memref<4112xf32, #tpu.memory_space<vmem>>[vector<16xi32>], vector<16xf32>,
      %parallel_loop3A_85 = arith.cmpf olt, %parallel_loop3A_83, %parallel_loop3A_28 : vector<16xf32>
      %parallel_loop3A_86 = arith.select %parallel_loop3A_85, %parallel_loop3A_79, %parallel_loop3A_74 : vector<16xi1>, vector<16xi32>
      %parallel_loop3A_87 = arith.cmpf olt, %parallel_loop3A_84, %parallel_loop3A_36 : vector<16xf32>
      %parallel_loop3A_88 = arith.select %parallel_loop3A_87, %parallel_loop3A_82, %parallel_loop3A_76 : vector<16xi1>, vector<16xi32>
      %parallel_loop3A_89 = arith.constant 64 : i32
      %parallel_loop3A_90 = vector.broadcast %parallel_loop3A_89 : i32 to vector<16xi32>
      %parallel_loop3A_91 = arith.addi %parallel_loop3A_86, %parallel_loop3A_90 : vector<16xi32>
      %parallel_loop3A_92 = arith.constant 64 : i32
      %parallel_loop3A_93 = vector.broadcast %parallel_loop3A_92 : i32 to vector<16xi32>
      %parallel_loop3A_94 = arith.addi %parallel_loop3A_88, %parallel_loop3A_93 : vector<16xi32>
      %parallel_loop3A_95 = tpu.vector_load_idx %arg7[%parallel_loop3A_91] : memref<4112xf32, #tpu.memory_space<vmem>>[vector<16xi32>], vector<16xf32>,
      %parallel_loop3A_96 = tpu.vector_load_idx %arg7[%parallel_loop3A_94] : memref<4112xf32, #tpu.memory_space<vmem>>[vector<16xi32>], vector<16xf32>,
      %parallel_loop3A_97 = arith.cmpf olt, %parallel_loop3A_95, %parallel_loop3A_28 : vector<16xf32>
      %parallel_loop3A_98 = arith.select %parallel_loop3A_97, %parallel_loop3A_91, %parallel_loop3A_86 : vector<16xi1>, vector<16xi32>
      %parallel_loop3A_99 = arith.cmpf olt, %parallel_loop3A_96, %parallel_loop3A_36 : vector<16xf32>
      %parallel_loop3A_100 = arith.select %parallel_loop3A_99, %parallel_loop3A_94, %parallel_loop3A_88 : vector<16xi1>, vector<16xi32>
      %parallel_loop3A_101 = arith.constant 32 : i32
      %parallel_loop3A_102 = vector.broadcast %parallel_loop3A_101 : i32 to vector<16xi32>
      %parallel_loop3A_103 = arith.addi %parallel_loop3A_98, %parallel_loop3A_102 : vector<16xi32>
      %parallel_loop3A_104 = arith.constant 32 : i32
      %parallel_loop3A_105 = vector.broadcast %parallel_loop3A_104 : i32 to vector<16xi32>
      %parallel_loop3A_106 = arith.addi %parallel_loop3A_100, %parallel_loop3A_105 : vector<16xi32>
      %parallel_loop3A_107 = tpu.vector_load_idx %arg7[%parallel_loop3A_103] : memref<4112xf32, #tpu.memory_space<vmem>>[vector<16xi32>], vector<16xf32>,
      %parallel_loop3A_108 = tpu.vector_load_idx %arg7[%parallel_loop3A_106] : memref<4112xf32, #tpu.memory_space<vmem>>[vector<16xi32>], vector<16xf32>,
      %parallel_loop3A_109 = arith.cmpf olt, %parallel_loop3A_107, %parallel_loop3A_28 : vector<16xf32>
      %parallel_loop3A_110 = arith.select %parallel_loop3A_109, %parallel_loop3A_103, %parallel_loop3A_98 : vector<16xi1>, vector<16xi32>
      %parallel_loop3A_111 = arith.cmpf olt, %parallel_loop3A_108, %parallel_loop3A_36 : vector<16xf32>
      %parallel_loop3A_112 = arith.select %parallel_loop3A_111, %parallel_loop3A_106, %parallel_loop3A_100 : vector<16xi1>, vector<16xi32>
      %parallel_loop3A_113 = arith.constant 16 : i32
      %parallel_loop3A_114 = vector.broadcast %parallel_loop3A_113 : i32 to vector<16xi32>
      %parallel_loop3A_115 = arith.addi %parallel_loop3A_110, %parallel_loop3A_114 : vector<16xi32>
      %parallel_loop3A_116 = arith.constant 16 : i32
      %parallel_loop3A_117 = vector.broadcast %parallel_loop3A_116 : i32 to vector<16xi32>
      %parallel_loop3A_118 = arith.addi %parallel_loop3A_112, %parallel_loop3A_117 : vector<16xi32>
      %parallel_loop3A_119 = tpu.vector_load_idx %arg7[%parallel_loop3A_115] : memref<4112xf32, #tpu.memory_space<vmem>>[vector<16xi32>], vector<16xf32>,
      %parallel_loop3A_120 = tpu.vector_load_idx %arg7[%parallel_loop3A_118] : memref<4112xf32, #tpu.memory_space<vmem>>[vector<16xi32>], vector<16xf32>,
      %parallel_loop3A_121 = arith.cmpf olt, %parallel_loop3A_119, %parallel_loop3A_28 : vector<16xf32>
      %parallel_loop3A_122 = arith.select %parallel_loop3A_121, %parallel_loop3A_115, %parallel_loop3A_110 : vector<16xi1>, vector<16xi32>
      %parallel_loop3A_123 = arith.cmpf olt, %parallel_loop3A_120, %parallel_loop3A_36 : vector<16xf32>
      %parallel_loop3A_124 = arith.select %parallel_loop3A_123, %parallel_loop3A_118, %parallel_loop3A_112 : vector<16xi1>, vector<16xi32>
      %parallel_loop3A_125 = tpu.vector_load_idx %arg8[%parallel_loop3A_122] : memref<4096xf32, #tpu.memory_space<vmem>>[vector<16xi32>], vector<16xf32>,
      %parallel_loop3A_126 = tpu.vector_load_idx %arg8[%parallel_loop3A_124] : memref<4096xf32, #tpu.memory_space<vmem>>[vector<16xi32>], vector<16xf32>,
      %parallel_loop3A_127 = tpu.vector_load_idx %arg9[%parallel_loop3A_122] : memref<4096xf32, #tpu.memory_space<vmem>>[vector<16xi32>], vector<16xf32>,
      %parallel_loop3A_128 = tpu.vector_load_idx %arg9[%parallel_loop3A_124] : memref<4096xf32, #tpu.memory_space<vmem>>[vector<16xi32>], vector<16xf32>,
      %parallel_loop3A_129 = arith.mulf %parallel_loop3A_28, %parallel_loop3A_125 : vector<16xf32>
      %parallel_loop3A_130 = arith.addf %parallel_loop3A_127, %parallel_loop3A_129 : vector<16xf32>
      %parallel_loop3A_131 = arith.constant 2 : i32
      %parallel_loop3A_132 = arith.muli %parallel_loop3A_20, %parallel_loop3A_131 : i32
      %parallel_loop3A_133 = arith.constant 0 : i32
      %parallel_loop3A_134 = arith.addi %parallel_loop3A_132, %parallel_loop3A_133 : i32
      %parallel_loop3A_135 = arith.constant 16 : i32
      %parallel_loop3A_136 = arith.muli %parallel_loop3A_134, %parallel_loop3A_135 : i32
      %parallel_loop3A_137 = arith.index_cast %parallel_loop3A_136 : i32 to index
      %parallel_loop3A_138 = tpu.vector_load %arg11[%parallel_loop3A_137] {strides = array<i32>} : memref<32768xf32, #tpu.memory_space<vmem>>, vector<16xf32>,
      tpu.vector_store %arg11[%parallel_loop3A_137], %parallel_loop3A_130 {strides = array<i32>} : memref<32768xf32, #tpu.memory_space<vmem>>, vector<16xf32>,
      %parallel_loop3A_139 = arith.mulf %parallel_loop3A_36, %parallel_loop3A_126 : vector<16xf32>
      %parallel_loop3A_140 = arith.addf %parallel_loop3A_128, %parallel_loop3A_139 : vector<16xf32>
      %parallel_loop3A_141 = arith.constant 2 : i32
      %parallel_loop3A_142 = arith.muli %parallel_loop3A_20, %parallel_loop3A_141 : i32
      %parallel_loop3A_143 = arith.constant 1 : i32
      %parallel_loop3A_144 = arith.addi %parallel_loop3A_142, %parallel_loop3A_143 : i32
      %parallel_loop3A_145 = arith.constant 16 : i32
      %parallel_loop3A_146 = arith.muli %parallel_loop3A_144, %parallel_loop3A_145 : i32
      %parallel_loop3A_147 = arith.index_cast %parallel_loop3A_146 : i32 to index
      %parallel_loop3A_148 = tpu.vector_load %arg11[%parallel_loop3A_147] {strides = array<i32>} : memref<32768xf32, #tpu.memory_space<vmem>>, vector<16xf32>,
      tpu.vector_store %arg11[%parallel_loop3A_147], %parallel_loop3A_140 {strides = array<i32>} : memref<32768xf32, #tpu.memory_space<vmem>>, vector<16xf32>,
    } {sc.loop_unroll_factor = 1 : i64, sc.parallel_access}
    "tpu.region"() ({
      %run_scoped3A = tpu.sem_alloc : memref<!tpu.dma_semaphore, #tpu.memory_space<semaphore_mem>>
      %dma_start3A = tpu.memref_slice %arg6[%mul3A_2] : memref<1048576xf32, #tpu.memory_space<hbm>> -> memref<32768xf32, #tpu.memory_space<hbm>>
      %dma_start3A_20 = tpu.memref_slice %arg6[%mul3A_2] : memref<1048576xf32, #tpu.memory_space<hbm>> -> memref<32768xf32, #tpu.memory_space<hbm>>
      tpu.enqueue_dma source(%arg11 : memref<32768xf32, #tpu.memory_space<vmem>>) target(%dma_start3A_20 : memref<32768xf32, #tpu.memory_space<hbm>>) target_semaphore(%run_scoped3A : memref<!tpu.dma_semaphore, #tpu.memory_space<semaphore_mem>>)
      %dma_wait3A = tpu.memref_slice %arg6[%mul3A_2] : memref<1048576xf32, #tpu.memory_space<hbm>> -> memref<32768xf32, #tpu.memory_space<hbm>>
      %dma_wait3A_21 = tpu.memref_slice %arg6[%mul3A_2] : memref<1048576xf32, #tpu.memory_space<hbm>> -> memref<32768xf32, #tpu.memory_space<hbm>>
      tpu.wait_dma2 semaphore(%run_scoped3A : memref<!tpu.dma_semaphore, #tpu.memory_space<semaphore_mem>>) src(%arg11 : memref<32768xf32, #tpu.memory_space<vmem>>) dst(%dma_wait3A_21 : memref<32768xf32, #tpu.memory_space<hbm>>)
      tpu.yield
    }) : () -> ()
    return
  }
}

</mosaic_0001>

<sc_bundles>
// kernel: kernel.3.cloned.1.call-start
scs
__scs_entry_jumppad:
0x0: {  	(pc) =	sbr.rel $0x88, $3  }
0x1: {  	(tag) =	ssettag $0x0;
	lr =	simm.s32 $0x1  }
0x2: {  	[smem:$0x3F9F] =	sst lr;
	_ =	strace $0xD0000000  }
0x3: {  	_ = 	snop  }
0x4: {  	_ = 	snop  }
0x5: {  	_ = 	snop  }
0x6: {  	_ = 	snop  }
0x7: {  	_ = 	snop  }
__scs_overlays_trampoline_lowered:
0x8: {  	[smem:$0x3FAE] =	sst s0  }
0x9: {  	[smem:$0x3FAF] =	sst s1  }
0xa: {  	[smem:$0x3FB0] =	sst s2  }
0xb: {  	[smem:$0x3FB1] =	sst s3  }
0xc: {  	[smem:$0x3FB2] =	sst s4  }
0xd: {  	[smem:$0x3FB3] =	sst s5  }
0xe: {  	[smem:$0x3FB4] =	sst s6  }
0xf: {  	[smem:$0x3FB5] =	sst s7  }
0x10: {  	[smem:$0x3FB6] =	sst s8  }
0x11: {  	[smem:$0x3FB7] =	sst s9;
	s0 =	simm.s32 @!p0 $0x0  }
0x12: {  	s1 =	sld [smem:$0x3F9D];
	s0 =	simm.s32 @p0 $0x1  }
0x13: {  	[smem:$0x3FB8] =	sst s0;
	s0 =	simm.s32 @!p1 $0x0  }
0x14: {  	s2 =	sld [smem:$0x3F9C];
	s0 =	simm.s32 @p1 $0x1  }
0x15: {  	[smem:$0x3FB9] =	sst s0;
	s0 =	simm.s32 @!p2 $0x0  }
0x16: {  	s3 =	sld [smem:$0x3FDB];
	s0 =	simm.s32 @p2 $0x1  }
0x17: {  	s4 =	simm.s32 $0x1BF5;
	[smem:$0x3FBB] =	sst s0  }
0x18: {  	s0 =	sld [smem:$0x3F9E];
	_ =	swait.ge [sflag:s4], $0x0  }
0x19: {  	s7 =	sld [smem:$0x3F9F]  }
0x1a: {  	s8 =	sadd.s32 $0xFFFFE003, lr  }
0x1b: {  	s9 =	sadd.s32 $0xFFFFFEF7, lr;
	s5 =	simm.s32 $0xFFFFFFFF;
	p2 =	slt.u32 s8, $0xFFFFF086  }
0x1c: {  	p1 =	slt.u32 s9, $0xF7A;
	s5 =	simm.s32 @!p2 $0x0  }
0x1d: {  	s5 =	simm.s32 @p1 $0x1;
	p0 =	seq.s32 s7, s2  }
0x1e: {  	s7 =	smul.u32 @!p0 $0xF7A, s2;
	p2 =	seq.s32 @!p0 s5, $0x0  }
0x1f: {  	s9 =	smul.u32 $0xF7A, s1;
	s8 =	simm.s32 @!p0 $0x1BF5;
	p2 =	por !p2, p0  }
0x20: {  	[sflag:s8] =	ssyncset.s32 @!p0 $0xFFFFF086;
	s6 =	sadd.s32 @!p0 s3, s7;
	s7 =	simm.s32 @!p0 $0x108  }
0x21: {  	s3 =	sadd.s32 s3, s9;
	s6 =	sadd.s32 @!p0 $0x88, s6;
	s7 =	simm.s32 @p2 $0x1082  }
0x22: {  	[simem:s7], [sflag:s8] =	dma.local @!p0 [hbm:s6], $0xF7A  }
0x23: {  	s9 =	sor.u32 $0xD0000000, s2;
	s6 =	simm.s32 $0x108;
	_ =	swait.ge @!p0 [sflag:s8], $0x0  }
0x24: {  	s3 =	sadd.s32 $0x88, s3;
	s6 =	simm.s32 @!p1 $0x1082;
	[sflag:s4] =	ssyncset.s32 $0xFFFFF086  }
0x25: {  	[simem:s6], [sflag:s4] =	dma.local [hbm:s3], $0xF7A  }
0x26: {  	[smem:$0x3F9F] =	sst s1;
	(tag) =	ssettag s2;
	_ =	strace s9  }
0x27: {  	s1 =	sld [smem:$0x3FAF]  }
0x28: {  	s2 =	sld [smem:$0x3FB0]  }
0x29: {  	s4 =	sld [smem:$0x3FB2]  }
0x2a: {  	p0 =	seq.s32 s5, $0x0;
	s5 =	sld [smem:$0x3FB3]  }
0x2b: {  	s6 =	sld [smem:$0x3FB4]  }
0x2c: {  	s7 =	sld [smem:$0x3FB5]  }
0x2d: {  	s3 =	simm.s32 $0x108;
	s8 =	sld [smem:$0x3FB6]  }
0x2e: {  	s3 =	simm.s32 @!p0 $0x1082;
	s9 =	sld [smem:$0x3FB7]  }
0x2f: {  	lr =	sadd.s32 s0, s3;
	s0 =	sld [smem:$0x3FAE]  }
0x30: {  	s3 =	sld [smem:$0x3FB1]  }
0x31: {  	[smem:$0x3FBA] =	sst s10  }
0x32: {  	s10 =	sld [smem:$0x3FB8];
	_ =	sdelay $0x3  }
0x33: {  	p0 =	seq.s32 s10, $0x1;
	s10 =	sld [smem:$0x3FBA];
	_ =	sdelay $0x3  }
0x34: {  	[smem:$0x3FBA] =	sst s10  }
0x35: {  	s10 =	sld [smem:$0x3FB9];
	_ =	sdelay $0x3  }
0x36: {  	p1 =	seq.s32 s10, $0x1;
	s10 =	sld [smem:$0x3FBA];
	_ =	sdelay $0x3  }
0x37: {  	[smem:$0x3FBA] =	sst s10  }
0x38: {  	s10 =	sld [smem:$0x3FBB]  }
0x39: {  	_ = 	snop;
	(pc) =	sbr.ind lr, $3  }
0x3a: {  	_ = 	snop  }
0x3b: {  	_ = 	snop  }
0x3c: {  	p2 =	seq.s32 s10, $0x1;
	s10 =	sld [smem:$0x3FBA]  }
0x3d: {  	_ =	shalt  }
0x3e: {  	_ =	shalt  }
0x3f: {  	_ =	shalt  }
0x40: {  	_ =	shalt  }
0x41: {  	_ =	shalt  }
0x42: {  	_ =	shalt  }
0x43: {  	_ =	shalt  }
0x44: {  	_ =	shalt  }
0x45: {  	_ =	shalt  }
0x46: {  	_ =	shalt  }
0x47: {  	_ =	shalt  }
0x48: {  	_ =	shalt  }
0x49: {  	_ =	shalt  }
0x4a: {  	_ =	shalt  }
0x4b: {  	_ =	shalt  }
0x4c: {  	_ =	shalt  }
0x4d: {  	_ =	shalt  }
0x4e: {  	_ =	shalt  }
0x4f: {  	_ =	shalt  }
0x50: {  	_ =	shalt  }
0x51: {  	_ =	shalt  }
0x52: {  	_ =	shalt  }
0x53: {  	_ =	shalt  }
0x54: {  	_ =	shalt  }
0x55: {  	_ =	shalt  }
0x56: {  	_ =	shalt  }
0x57: {  	_ =	shalt  }
0x58: {  	_ =	shalt  }
0x59: {  	_ =	shalt  }
0x5a: {  	_ =	shalt  }
0x5b: {  	_ =	shalt  }
0x5c: {  	_ =	shalt  }
0x5d: {  	_ =	shalt  }
0x5e: {  	_ =	shalt  }
0x5f: {  	_ =	shalt  }
0x60: {  	_ =	shalt  }
0x61: {  	_ =	shalt  }
0x62: {  	_ =	shalt  }
0x63: {  	_ =	shalt  }
0x64: {  	_ =	shalt  }
0x65: {  	_ =	shalt  }
0x66: {  	_ =	shalt  }
0x67: {  	_ =	shalt  }
0x68: {  	_ =	shalt  }
0x69: {  	_ =	shalt  }
0x6a: {  	_ =	shalt  }
0x6b: {  	_ =	shalt  }
0x6c: {  	_ =	shalt  }
0x6d: {  	_ =	shalt  }
0x6e: {  	_ =	shalt  }
0x6f: {  	_ =	shalt  }
0x70: {  	_ =	shalt  }
0x71: {  	_ =	shalt  }
0x72: {  	_ =	shalt  }
0x73: {  	_ =	shalt  }
0x74: {  	_ =	shalt  }
0x75: {  	_ =	shalt  }
0x76: {  	_ =	shalt  }
0x77: {  	_ =	shalt  }
0x78: {  	_ =	shalt  }
0x79: {  	_ =	shalt  }
0x7a: {  	_ =	shalt  }
0x7b: {  	_ =	shalt  }
0x7c: {  	_ =	shalt  }
0x7d: {  	_ =	shalt  }
0x7e: {  	_ =	shalt  }
0x7f: {  	_ =	shalt  }
0x80: {  	_ =	shalt  }
0x81: {  	_ =	shalt  }
0x82: {  	_ =	shalt  }
0x83: {  	_ =	shalt  }
0x84: {  	_ =	shalt  }
0x85: {  	_ =	shalt  }
0x86: {  	_ =	shalt  }
0x87: {  	_ =	shalt  }
.Lfunc_end0:
.L_simem_size_0:
called_computation_lowered:
.L_overlay_start_0:
0x88: {  	s2 =	sld [smem:$0x3FD9]  }
0x89: {  	s3 =	sld [smem:$0x3FFE];
	_ =	sdelay $0x1  }
0x8a: {  	s1 =	srdreg.scid  }
0x8b: {  	s0 =	sand.u32 $0x1, s1  }
0x8c: {  	s17 =	sshll.u32 s0, $0xA;
	s2 =	sadd.s32 s3, s2  }
0x8d: {  	s2 =	sadd.s32 s2, s17  }
0x8e: {  	[smem:$0x3FC6] =	sst s2  }
0x8f: {  	_ = 	snop  }
0x90: {  	s2 =	sld [smem:$0x3FC9]  }
0x91: {  	s18 =	sld [smem:$0x3FD0];
	(tm) =	ssettm $0x1  }
0x92: {  	s4 =	sld [smem:$0x3FFB];
	_ =	sdelay $0x3  }
0x93: {  	_ =	strace s4  }
0x94: {  	s4 =	sld [smem:$0x3FFC];
	_ =	sdelay $0x3  }
0x95: {  	_ =	strace s4  }
0x96: {  	s4 =	sld [smem:$0x3FFD];
	_ =	sdelay $0x3  }
0x97: {  	_ =	strace s4  }
0x98: {  	_ =	strace $0x8FFFFFFF  }
0x99: {  	s19 =	sld [smem:$0x3FDB];
	_ =	sdelay $0x1  }
0x9a: {  	s5 =	simm.s32 $_scs_section_size  }
0x9b: {  	s6 =	simm.s32 $_size__tile_overlayer_lowered;
	s7 =	simm.s32 $_tile_overlayer_lowered  }
0x9c: {  	s22 =	simm.s32 $0x1BFF;
	s21 =	sshll.u32 s7, $0x1;
	s4 =	sadd.s32 s5, s19  }
0x9d: {  	s8 =	simm.s32 $0x0;
	s20 =	sshll.u32 s6, $0x1;
	s6 =	sadd.s32 s21, s4  }
0x9e: {  	[timem:s8], [sflag:s22] =	dma.local [hbm:s6], s20  }
0x9f: {  	_ =	swait.ge [sflag:s22], s20  }
0xa0: {  	s5 =	ssub.s32 $0x0, s20;
	[sflag:s22] =	ssyncset.done $0x0  }
0xa1: {  	[sflag:s22] =	ssyncadd.s32 s5;
	_ =	sdelay $0x1  }
0xa2: {  	s23 =	simm.s32 $0x1B8B  }
0xa3: {  	_ =	swait.ge [sflag:s23], $0x1  }
0xa4: {  	[sflag:s23] =	ssyncset.done $0x0  }
0xa5: {  	s25 =	simm.s32 $0x1B8E;
	s24 =	sld [smem:$0x3FFE];
	[sflag:s23] =	ssyncadd.s32 $0xFFFFFFFF  }
0xa6: {  	s26 =	simm.s32 $execute0_lowered;
	[smem:$0x3FD2] =	sst s25  }
0xa7: {  	s6 =	sshll.u32 s26, $0x1;
	_ =	strace $0x80000046;
	[dreg:$0x1] =	wrdreg $0xFFFFFFFF  }
0xa8: {  	s28 =	simm.s32 $_size_execute0_lowered;
	s4 =	sadd.s32 s4, s6;
	[dreg:$0x0] =	wrdreg $0x0  }
0xa9: {  	s6 =	sshll.u32 s28, $0x1;
	[dreg:$0x2] =	wrdreg s4  }
0xaa: {  	[dreg:$0x3] =	wrdreg s6  }
0xab: {  	[dreg:$0x4] =	wrdreg $0xC0  }
0xac: {  	_ =	task [dreg:s8], $0x5FFFF  }
0xad: {  	[dreg:$0x1] =	wrdreg $0xFFFFFFFF  }
0xae: {  	[dreg:$0x0] =	wrdreg $0x60  }
0xaf: {  	[dreg:$0x2] =	wrdreg s2  }
0xb0: {  	[dreg:$0x3] =	wrdreg s24  }
0xb1: {  	[dreg:$0x4] =	wrdreg s18  }
0xb2: {  	[dreg:$0x5] =	wrdreg $0x9  }
0xb3: {  	_ =	task.clear_ibuf [dreg:s8], $0x6FFFF;
	_ =	strace $0x90000046  }
0xb4: {  	s29 =	simm.s32 $0x9;
	_ =	strace $0x80000048  }
0xb5: {  	_ =	swait.ge [sflag:s29], $0x1  }
0xb6: {  	[sflag:s29] =	ssyncadd.s32 $0xFFFFFFFF  }
0xb7: {  	_ =	strace $0x90000048  }
0xb8: {  	_ =	sfence  }
0xb9: {  	s30 =	sld [smem:$0x0];
	_ =	sdelay $0x2  }
0xba: {  	s31 =	sshll.u32 s1, $0xD;
	s1 =	sshrl.u32 s1, $0x2  }
0xbb: {  	s3 =	sand.u32 $0x4000, s31;
	s1 =	sadd.s32 s1, s30  }
0xbc: {  	s0 =	sor.u32 s3, s0;
	s1 =	sshll.u32 s1, $0x11  }
0xbd: {  	s0 =	sor.u32 s1, s0  }
0xbe: {  	s0 =	sadd.s32 $0x8F2B, s0  }
0xbf: {  	[sflag:s0] =	ssyncadd.remote.s32 $0x1  }
0xc0: {  	_ =	sfence.sel $0xFFFF  }
0xc1: {  	[dreg:$0x0] =	wrdreg $0xFFFFFFFF;
	(pc) =	sbr.abs _section_cstart, $3  }
0xc2: {  	[dreg:$0x1] =	wrdreg $0xFFFFFFFF  }
0xc3: {  	_ =	task.clear_ibuf [dreg:s8], $0x2FFFF;
	_ =	strace $0x9FFFFFFF  }
0xc4: {  	(tm) =	ssettm $0x7FFFFFFF  }
0xc5: {  	_ =	shalt  }
tec
execute0_lowered:
.L_overlay_start_1:
0x0: {  	(tag) =	ssettag $0x1  }
0x1: {  	s6 =	rddreg [dreg:$0x0]  }
0x2: {  	s5 =	rddreg [dreg:$0x1]  }
0x3: {  	s7 =	rddreg [dreg:$0x2]  }
0x4: {  	s0 =	rddreg [dreg:$0x3]  }
0x5: {  	s1 =	simm.s32 $0x0;
	s2 =	srdreg.scid;
	s12 =	simm.s32 $0x3080  }
0x6: {  	s13 =	simm.s32 $0xB080;
	s14 =	simm.s32 $0x0;
	[smem:$0x7FF] =	sst s1  }
0x7: {  	s3 =	sadd.s32 $0xC00, s5;
	s8 =	sand.u32 $0x1, s2;
	s4 =	sadd.s32 $0x800, s5  }
0x8: {  	s2 =	stileid.u32;
	s5 =	sadd.s32 $0xA00, s5;
	_ =	strace $0x80000047  }
0x9: {  	s9 =	ssub.s32 $0x2, s8;
	s11 =	sshll.u32 s2, $0xD;
	s8 =	sshll.u32 s8, $0xC  }
0xa: {  	s10 =	sshrl.u32 s9, $0x1;
	s8 =	sor.u32 s8, s11;
	s11 =	simm.s32 $0x2080  }
0xb: {  	v0 =	vlaneseq.u32;
	s9 =	ssub.s32 s9, s10;
	s6 =	sadd.s32 s6, s8;
	s7 =	sadd.s32 s7, s8  }
0xc: {  	v1 =	vor.u32 $0x800, v0;
	v2 =	vor.u32 $0x400, v0;
	v3 =	vor.u32 $0xC00, v0;
	s10 =	simm.s32 $0x1080;
	s8 =	smax.u32 s9, $0x1;
	s9 =	simm.s32 $0x1  }
.LBB2_1:
0xd: {  	[tilespmem:s1], [sflag:$0x1] =	stream.linear.gather [hbm4b:s3+s1], $0x1080, $0x38;
	[tilespmem:$0x13080] =	vst v63  }
0xe: {  	_ =	swait.ge [sflag:s9], $0x1080  }
0xf: {  	[sflag:s9] =	ssyncset.done $0x0  }
0x10: {  	[sflag:s9] =	ssyncadd.s32 $0xFFFFEF80  }
0x11: {  	[tilespmem:s10], [sflag:$0x1] =	stream.linear.gather [hbm4b:s4+s1], $0x1000, $0x38;
	[tilespmem:$0x13080] =	vst v63  }
0x12: {  	_ =	swait.ge [sflag:s9], $0x1000  }
0x13: {  	[sflag:s9] =	ssyncset.done $0x0  }
0x14: {  	[sflag:s9] =	ssyncadd.s32 $0xFFFFF000  }
0x15: {  	[tilespmem:s11], [sflag:$0x1] =	stream.linear.gather [hbm4b:s5+s1], $0x1000, $0x38;
	[tilespmem:$0x13080] =	vst v63  }
0x16: {  	_ =	swait.ge [sflag:s9], $0x1000  }
0x17: {  	[sflag:s9] =	ssyncset.done $0x0  }
0x18: {  	[sflag:s9] =	ssyncadd.s32 $0xFFFFF000  }
0x19: {  	[tilespmem:s12], [sflag:$0x1] =	stream.linear.gather [hbm4b:s6+s1], $0x8000, $0x38;
	[tilespmem:$0x13080] =	vst v63  }
0x1a: {  	_ =	swait.ge [sflag:s9], $0x8000  }
0x1b: {  	[sflag:s9] =	ssyncset.done $0x0  }
0x1c: {  	[sflag:s9] =	ssyncadd.s32 $0xFFFF8000  }
0x1d: {  	v14 =	vld.idx.msk [tilespmem:v1+s1+$0x0], $0xffff  }
0x1e: {  	s15 =	simm.s32 $0x0;
	v13 =	vld.idx.msk [tilespmem:v2+s1+$0x0], $0xffff  }
0x1f: {  	v17 =	vld [tilespmem:s15+$0x3090]  }
0x20: {  	v15 =	vld.idx.msk [tilespmem:v3+s1+$0x0], $0xffff;
	_ =	sdelay $0x3  }
0x21: {  	vm0 =	vlt.f32 v14, v17  }
0x22: {  	v4 =	vsel vm0, v1, v0;
	v5 =	vsel vm0, v15, v13  }
0x23: {  	vm0 =	vlt.f32 v5, v17;
	v5 =	vor.u32 $0x400, v4  }
0x24: {  	v18 =	vld [tilespmem:s15+$0x3080];
	v4 =	vsel vm0, v5, v4  }
0x25: {  	v6 =	vor.u32 $0x200, v4  }
0x26: {  	v5 =	vand.u32 $0xE00, v6  }
0x27: {  	v5 =	vor.u32 v0, v5;
	_ =	sdelay $0x1  }
0x28: {  	vm0 =	vlt.f32 v14, v18  }
0x29: {  	v7 =	vsel vm0, v15, v13;
	v8 =	vsel vm0, v1, v0  }
0x2a: {  	vm0 =	vlt.f32 v7, v18;
	v7 =	vor.u32 $0x400, v8  }
0x2b: {  	v7 =	vsel vm0, v7, v8;
	v8 =	vld.idx.msk [tilespmem:v5+s1+$0x0], $0xffff  }
0x2c: {  	s16 =	simm.s32 $0x20;
	v9 =	vor.u32 $0x200, v7  }
0x2d: {  	v10 =	vand.u32 $0xE00, v9;
	v5 =	vld [tilespmem:s16+$0x3090]  }
0x2e: {  	v10 =	vor.u32 v0, v10;
	_ =	sdelay $0x1  }
0x2f: {  	vm0 =	vlt.f32 v8, v17  }
0x30: {  	v8 =	vsel vm0, v6, v4  }
0x31: {  	vm0 =	vlt.f32 v14, v5;
	v11 =	vor.u32 $0x100, v8  }
0x32: {  	v6 =	vld.idx.msk [tilespmem:v10+s1+$0x0], $0xffff;
	v10 =	vsel vm0, v1, v0;
	v4 =	vsel vm0, v15, v13;
	v12 =	vand.u32 $0xFFFFFF8F, v11  }
0x33: {  	vm0 =	vlt.f32 v4, v5;
	v16 =	vor.u32 $0x400, v10  }
0x34: {  	v4 =	vld [tilespmem:s16+$0x3080];
	v10 =	vsel vm0, v16, v10  }
0x35: {  	v16 =	vor.u32 $0x200, v10  }
0x36: {  	v19 =	vand.u32 $0xE00, v16  }
0x37: {  	vm0 =	vlt.f32 v6, v18;
	v19 =	vor.u32 v0, v19;
	v12 =	vld.idx.msk [tilespmem:v12+s1+$0x0], $0xffff  }
0x38: {  	v7 =	vsel vm0, v9, v7  }
0x39: {  	vm0 =	vlt.f32 v14, v4;
	v9 =	vor.u32 $0x100, v7  }
0x3a: {  	s17 =	simm.s32 $0x40;
	v20 =	vsel vm0, v15, v13;
	v21 =	vsel vm0, v1, v0;
	v22 =	vand.u32 $0xFFFFFF8F, v9  }
0x3b: {  	v6 =	vld [tilespmem:s17+$0x3090];
	vm0 =	vlt.f32 v20, v4;
	v20 =	vor.u32 $0x400, v21  }
0x3c: {  	v20 =	vsel vm0, v20, v21;
	v19 =	vld.idx.msk [tilespmem:v19+s1+$0x0], $0xffff;
	vm0 =	vlt.f32 v12, v17  }
0x3d: {  	v12 =	vor.u32 $0x200, v20;
	v8 =	vsel vm0, v11, v8  }
0x3e: {  	v11 =	vand.u32 $0xE00, v12;
	v21 =	vadd.s32 $0x80, v8  }
0x3f: {  	v22 =	vld.idx.msk [tilespmem:v22+s1+$0x0], $0xffff;
	v11 =	vor.u32 v0, v11;
	_ =	sdelay $0x1  }
0x40: {  	vm0 =	vlt.f32 v14, v6;
	vm1 =	vlt.f32 v19, v5  }
0x41: {  	v19 =	vsel vm0, v15, v13;
	v10 =	vsel vm1, v16, v10;
	v16 =	vsel vm0, v1, v0  }
0x42: {  	vm0 =	vlt.f32 v19, v6;
	v24 =	vor.u32 $0x100, v10;
	v25 =	vor.u32 $0x400, v16;
	v23 =	vld.idx.msk [tilespmem:v21+s1+$0x0], $0xffff  }
0x43: {  	vm1 =	vlt.f32 v22, v18;
	v11 =	vld.idx.msk [tilespmem:v11+s1+$0x0], $0xffff;
	v19 =	vand.u32 $0xFFFFFF8F, v24;
	v16 =	vsel vm0, v25, v16  }
0x44: {  	v9 =	vsel vm1, v9, v7;
	v22 =	vor.u32 $0x200, v16  }
0x45: {  	v7 =	vld [tilespmem:s17+$0x3080];
	v25 =	vadd.s32 $0x80, v9;
	v26 =	vand.u32 $0xE00, v22  }
0x46: {  	v26 =	vor.u32 v0, v26  }
0x47: {  	vm0 =	vlt.f32 v23, v17  }
0x48: {  	v19 =	vld.idx.msk [tilespmem:v19+s1+$0x0], $0xffff;
	v21 =	vsel vm0, v21, v8;
	vm0 =	vlt.f32 v11, v4  }
0x49: {  	v11 =	vadd.s32 $0x40, v21;
	v12 =	vsel vm0, v12, v20  }
0x4a: {  	vm0 =	vlt.f32 v14, v7;
	v20 =	vld.idx.msk [tilespmem:v25+s1+$0x0], $0xffff;
	v23 =	vor.u32 $0x100, v12  }
0x4b: {  	s18 =	simm.s32 $0x60;
	v27 =	vsel vm0, v15, v13;
	v28 =	vsel vm0, v1, v0;
	v26 =	vld.idx.msk [tilespmem:v26+s1+$0x0], $0xffff;
	v29 =	vand.u32 $0xFFFFFF8F, v23  }
0x4c: {  	v8 =	vld [tilespmem:s18+$0x3090];
	vm0 =	vlt.f32 v27, v7;
	v27 =	vor.u32 $0x400, v28  }
0x4d: {  	v27 =	vsel vm0, v27, v28;
	vm0 =	vlt.f32 v19, v5  }
0x4e: {  	v19 =	vor.u32 $0x200, v27;
	v10 =	vsel vm0, v24, v10;
	v24 =	vld.idx.msk [tilespmem:v11+s1+$0x0], $0xffff  }
0x4f: {  	v28 =	vand.u32 $0xE00, v19;
	v30 =	vadd.s32 $0x80, v10;
	vm0 =	vlt.f32 v20, v18  }
0x50: {  	v20 =	vor.u32 v0, v28;
	v25 =	vsel vm0, v25, v9;
	vm1 =	vlt.f32 v26, v6;
	v28 =	vld.idx.msk [tilespmem:v29+s1+$0x0], $0xffff  }
0x51: {  	vm0 =	vlt.f32 v14, v8;
	v26 =	vadd.s32 $0x40, v25;
	v16 =	vsel vm1, v22, v16  }
0x52: {  	v29 =	vsel vm0, v1, v0;
	v22 =	vsel vm0, v15, v13;
	v31 =	vor.u32 $0x100, v16  }
0x53: {  	v9 =	vld [tilespmem:s18+$0x3080];
	vm1 =	vlt.f32 v22, v8;
	v22 =	vand.u32 $0xFFFFFF8F, v31;
	vm0 =	vlt.f32 v24, v17  }
0x54: {  	v24 =	vld.idx.msk [tilespmem:v30+s1+$0x0], $0xffff;
	v11 =	vsel vm0, v11, v21  }
0x55: {  	v20 =	vld.idx.msk [tilespmem:v20+s1+$0x0], $0xffff;
	v21 =	vor.u32 $0x400, v29;
	v32 =	vadd.s32 $0x20, v11;
	vm0 =	vlt.f32 v28, v4  }
0x56: {  	v21 =	vsel vm1, v21, v29;
	v28 =	vld.idx.msk [tilespmem:v26+s1+$0x0], $0xffff;
	v12 =	vsel vm0, v23, v12  }
0x57: {  	v23 =	vor.u32 $0x200, v21;
	v29 =	vadd.s32 $0x80, v12  }
0x58: {  	v33 =	vand.u32 $0xE00, v23;
	v22 =	vld.idx.msk [tilespmem:v22+s1+$0x0], $0xffff  }
0x59: {  	vm0 =	vlt.f32 v14, v9;
	v33 =	vor.u32 v0, v33;
	vm1 =	vlt.f32 v24, v5  }
0x5a: {  	v24 =	vsel vm0, v15, v13;
	v30 =	vsel vm1, v30, v10;
	vm1 =	vlt.f32 v20, v7;
	v34 =	vld.idx.msk [tilespmem:v32+s1+$0x0], $0xffff  }
0x5b: {  	v20 =	vsel vm0, v1, v0;
	v35 =	vadd.s32 $0x40, v30;
	vm2 =	vlt.f32 v28, v18  }
0x5c: {  	s19 =	simm.s32 $0x80;
	vm0 =	vlt.f32 v24, v9;
	v19 =	vsel vm1, v19, v27;
	v25 =	vsel vm2, v26, v25;
	v27 =	vld.idx.msk [tilespmem:v29+s1+$0x0], $0xffff  }
0x5d: {  	v10 =	vld [tilespmem:s19+$0x3090];
	v24 =	vor.u32 $0x100, v19;
	v26 =	vadd.s32 $0x20, v25;
	vm1 =	vlt.f32 v22, v6  }
0x5e: {  	v28 =	vor.u32 $0x400, v20;
	v36 =	vand.u32 $0xFFFFFF8F, v24;
	v33 =	vld.idx.msk [tilespmem:v33+s1+$0x0], $0xffff;
	v16 =	vsel vm1, v31, v16  }
0x5f: {  	v20 =	vsel vm0, v28, v20;
	v31 =	vadd.s32 $0x80, v16;
	vm0 =	vlt.f32 v34, v17  }
0x60: {  	v22 =	vor.u32 $0x200, v20;
	v28 =	vld.idx.msk [tilespmem:v35+s1+$0x0], $0xffff;
	v32 =	vsel vm0, v32, v11  }
0x61: {  	v11 =	vand.u32 $0xE00, v22;
	v63 =	vadd.s32 $0x10, v32;
	vm0 =	vlt.f32 v27, v4  }
0x62: {  	v27 =	vor.u32 v0, v11;
	v37 =	vld.idx.msk [tilespmem:v26+s1+$0x0], $0xffff;
	v29 =	vsel vm0, v29, v12  }
0x63: {  	vm0 =	vlt.f32 v14, v10;
	v12 =	vld.idx.msk [tilespmem:v36+s1+$0x0], $0xffff;
	vm1 =	vlt.f32 v33, v8;
	v44 =	vadd.s32 $0x40, v29  }
0x64: {  	v45 =	vsel vm0, v1, v0;
	v21 =	vsel vm1, v23, v21;
	v23 =	vsel vm0, v15, v13;
	v38 =	vld.idx.msk [tilespmem:v31+s1+$0x0], $0xffff  }
0x65: {  	v11 =	vld [tilespmem:s19+$0x3080];
	v39 =	vor.u32 $0x100, v21;
	vm0 =	vlt.f32 v28, v5;
	vm1 =	vlt.f32 v23, v10  }
0x66: {  	v46 =	vor.u32 $0x400, v45;
	v23 =	vand.u32 $0xFFFFFF8F, v39;
	v30 =	vsel vm0, v35, v30;
	v28 =	vld.idx.msk [tilespmem:v63+s1+$0x0], $0xffff  }
0x67: {  	v35 =	vsel vm1, v46, v45;
	v27 =	vld.idx.msk [tilespmem:v27+s1+$0x0], $0xffff;
	v40 =	vadd.s32 $0x20, v30;
	vm0 =	vlt.f32 v37, v18  }
0x68: {  	vm1 =	vlt.f32 v12, v7;
	v25 =	vsel vm0, v26, v25;
	v26 =	vor.u32 $0x200, v35;
	v47 =	vld.idx.msk [tilespmem:v44+s1+$0x0], $0xffff  }
0x69: {  	v19 =	vsel vm1, v24, v19;
	v24 =	vadd.s32 $0x10, v25;
	vm1 =	vlt.f32 v38, v6  }
0x6a: {  	v12 =	vand.u32 $0xE00, v26;
	v48 =	vadd.s32 $0x80, v19;
	v31 =	vsel vm1, v31, v16  }
0x6b: {  	vm0 =	vlt.f32 v14, v11;
	v41 =	vor.u32 v0, v12;
	v23 =	vld.idx.msk [tilespmem:v23+s1+$0x0], $0xffff;
	v49 =	vadd.s32 $0x40, v31  }
0x6c: {  	s20 =	simm.s32 $0xA0;
	vm2 =	vlt.f32 v28, v17;
	v28 =	vsel vm0, v15, v13;
	v16 =	vld.idx.msk [tilespmem:v40+s1+$0x0], $0xffff;
	vm1 =	vlt.f32 v27, v9  }
0x6d: {  	v12 =	vld [tilespmem:s20+$0x3090];
	v27 =	vsel vm0, v1, v0;
	v32 =	vsel vm2, v63, v32;
	vm2 =	vlt.f32 v47, v4  }
0x6e: {  	v20 =	vsel vm1, v22, v20;
	vm0 =	vlt.f32 v28, v11;
	v50 =	vld.idx.msk [tilespmem:v24+s1+$0x0], $0xffff;
	v22 =	vsel vm2, v44, v29  }
0x6f: {  	v51 =	vor.u32 $0x400, v27;
	v28 =	vld.idx.msk [tilespmem:v48+s1+$0x0], $0xffff;
	v29 =	vor.u32 $0x100, v20;
	v33 =	vadd.s32 $0x20, v22  }
0x70: {  	v41 =	vld.idx.msk [tilespmem:v41+s1+$0x0], $0xffff;
	v42 =	vand.u32 $0xFFFFFF8F, v29;
	vm1 =	vlt.f32 v23, v8;
	v23 =	vsel vm0, v51, v27  }
0x71: {  	v52 =	vld.idx.msk [tilespmem:v49+s1+$0x0], $0xffff;
	v21 =	vsel vm1, v39, v21;
	vm0 =	vlt.f32 v16, v5;
	v38 =	vor.u32 $0x200, v23  }
0x72: {  	v27 =	vld.idx.msk [tilespmem:v32+s10+$0x0], $0xffff;
	v43 =	vadd.s32 $0x80, v21;
	v30 =	vsel vm0, v40, v30;
	v16 =	vand.u32 $0xE00, v38  }
0x73: {  	v40 =	vadd.s32 $0x10, v30;
	vm0 =	vlt.f32 v50, v18;
	v53 =	vor.u32 v0, v16;
	v16 =	vld [tilespmem:s20+$0x3080]  }
0x74: {  	vm1 =	vlt.f32 v28, v7;
	v24 =	vsel vm0, v24, v25;
	v28 =	vld.idx.msk [tilespmem:v33+s1+$0x0], $0xffff  }
0x75: {  	vm0 =	vlt.f32 v14, v12;
	v25 =	vld.idx.msk [tilespmem:v42+s1+$0x0], $0xffff;
	v19 =	vsel vm1, v48, v19;
	vm1 =	vlt.f32 v41, v10  }
0x76: {  	v32 =	vld.idx.msk [tilespmem:v32+s11+$0x0], $0xffff;
	v54 =	vsel vm0, v1, v0;
	v37 =	vadd.s32 $0x40, v19;
	v55 =	vsel vm1, v26, v35  }
0x77: {  	v26 =	vsel vm0, v15, v13;
	vm0 =	vlt.f32 v52, v6;
	v56 =	vld.idx.msk [tilespmem:v43+s1+$0x0], $0xffff;
	v44 =	vor.u32 $0x100, v55  }
0x78: {  	vm1 =	vlt.f32 v26, v12;
	v34 =	vsel vm0, v49, v31;
	v31 =	vor.u32 $0x400, v54;
	v57 =	vld.idx.msk [tilespmem:v40+s1+$0x0], $0xffff  }
0x79: {  	v26 =	vand.u32 $0xFFFFFF8F, v44;
	v36 =	vld.idx.msk [tilespmem:v53+s1+$0x0], $0xffff;
	v45 =	vadd.s32 $0x20, v34;
	vm2 =	vlt.f32 v14, v16  }
0x7a: {  	v46 =	vld.idx.msk [tilespmem:v24+s11+$0x0], $0xffff;
	vm0 =	vlt.f32 v28, v4;
	v28 =	vsel vm1, v31, v54;
	vm1 =	vlt.f32 v25, v9  }
0x7b: {  	v24 =	vld.idx.msk [tilespmem:v24+s10+$0x0], $0xffff;
	v22 =	vsel vm0, v33, v22;
	v31 =	vor.u32 $0x200, v28;
	v47 =	vsel vm1, v29, v20  }
0x7c: {  	v58 =	vld.idx.msk [tilespmem:v37+s1+$0x0], $0xffff;
	v20 =	vmul.f32 v27, v17;
	v29 =	vsel vm2, v1, v0;
	v59 =	vadd.s32 $0x10, v22  }
0x7d: {  	v17 =	vand.u32 $0xE00, v31;
	v48 =	vadd.s32 $0x80, v47;
	vm0 =	vlt.f32 v56, v8  }
0x7e: {  	v49 =	vor.u32 v0, v17;
	v50 =	vld.idx.msk [tilespmem:v26+s1+$0x0], $0xffff;
	vm1 =	vlt.f32 v57, v5;
	v25 =	vsel vm0, v43, v21  }
0x7f: {  	s21 =	simm.s32 $0xC0;
	v21 =	vld.idx.msk [tilespmem:v45+s1+$0x0], $0xffff;
	v26 =	vsel vm2, v15, v13;
	v62 =	vadd.f32 v32, v20;
	v30 =	vsel vm1, v40, v30  }
0x80: {  	v17 =	vld [tilespmem:s21+$0x3090];
	v27 =	vadd.s32 $0x40, v25;
	vm0 =	vlt.f32 v26, v16;
	vm1 =	vlt.f32 v36, v11  }
0x81: {  	v26 =	vor.u32 $0x400, v29;
	v63 =	vmul.f32 v24, v18;
	v18 =	vld [tilespmem:s21+$0x3080];
	vm2 =	vlt.f32 v58, v7  }
0x82: {  	v35 =	vsel vm1, v38, v23;
	v29 =	vsel vm0, v26, v29;
	v60 =	vld.idx.msk [tilespmem:v59+s1+$0x0], $0xffff;
	v23 =	vsel vm2, v37, v19  }
0x83: {  	v33 =	vor.u32 $0x200, v29;
	v61 =	vld.idx.msk [tilespmem:v48+s1+$0x0], $0xffff;
	v37 =	vor.u32 $0x100, v35;
	v26 =	vadd.s32 $0x20, v23  }
0x84: {  	v19 =	vand.u32 $0xE00, v33;
	v40 =	vld.idx.msk [tilespmem:v49+s1+$0x0], $0xffff;
	v51 =	vand.u32 $0xFFFFFF8F, v37;
	vm0 =	vlt.f32 v50, v10  }
0x85: {  	vm1 =	vlt.f32 v21, v6;
	v42 =	vor.u32 v0, v19;
	v20 =	vld.idx.msk [tilespmem:v30+s10+$0x0], $0xffff;
	v32 =	vsel vm0, v44, v55  }
0x86: {  	v39 =	vld.idx.msk [tilespmem:v27+s1+$0x0], $0xffff;
	v21 =	vsel vm1, v45, v34;
	v36 =	vadd.s32 $0x80, v32  }
0x87: {  	v19 =	vld.idx.msk [tilespmem:v30+s11+$0x0], $0xffff;
	v24 =	vadd.s32 $0x10, v21;
	vm0 =	vlt.f32 v60, v4  }
0x88: {  	vm1 =	vlt.f32 v61, v9;
	v38 =	vld.idx.msk [tilespmem:v26+s1+$0x0], $0xffff;
	v30 =	vsel vm0, v59, v22;
	v22 =	vadd.f32 v46, v63  }
0x89: {  	s22 =	simm.s32 $0x380;
	[tilespmem:s15+$0xB090] =	vst v62;
	vm0 =	vlt.f32 v14, v17;
	v41 =	vld.idx.msk [tilespmem:v51+s1+$0x0], $0xffff;
	v34 =	vsel vm1, v48, v47  }
.LBB2_2:
0x8a: {  	p0 =	sne.s32 s22, $0x1FF80;
	v42 =	vld.idx.msk [tilespmem:v42+s1+$0x0], $0xffff;
	vm1 =	vlt.f32 v40, v12;
	v40 =	vadd.s32 $0x40, v34;
	v46 =	vmul.f32 v20, v5;
	[tilespmem:s15+$0xB080] =	vst v22;
	s15 =	smov.u32 s16;
	s16 =	smov.u32 s17  }
0x8b: {  	v20 =	vsel vm0, v1, v0;
	v22 =	vsel vm0, v15, v13;
	s17 =	smov.u32 s18;
	s18 =	smov.u32 s19;
	s19 =	smov.u32 s20;
	v43 =	vsel vm1, v31, v28;
	v44 =	vld.idx.msk [tilespmem:v36+s1+$0x0], $0xffff  }
0x8c: {  	vm0 =	vlt.f32 v39, v8;
	v5 =	vmovc v6;
	s20 =	smov.u32 s21;
	v45 =	vor.u32 $0x100, v43;
	v39 =	vld.idx.msk [tilespmem:v24+s1+$0x0], $0xffff;
	v19 =	vadd.f32 v19, v46  }
0x8d: {  	v6 =	vmovc v8;
	vm1 =	vlt.f32 v22, v17;
	v46 =	vsel vm0, v27, v25;
	v22 =	vand.u32 $0xFFFFFF8F, v45;
	v47 =	vld.idx.msk [tilespmem:v30+s11+$0x0], $0xffff  }
0x8e: {  	v8 =	vmovc v10;
	v25 =	vor.u32 $0x400, v20;
	v48 =	vadd.s32 $0x20, v46;
	vm0 =	vlt.f32 v38, v7;
	v30 =	vld.idx.msk [tilespmem:v30+s10+$0x0], $0xffff;
	[tilespmem:s15+$0xB090] =	vst v19  }
0x8f: {  	v28 =	vsel vm1, v25, v20;
	vm1 =	vlt.f32 v41, v11;
	v41 =	vsel vm0, v26, v23;
	v19 =	vld.idx.msk [tilespmem:v40+s1+$0x0], $0xffff  }
0x90: {  	v10 =	vmovc v12;
	v12 =	vmovc v17;
	v31 =	vor.u32 $0x200, v28;
	v49 =	vsel vm1, v37, v35;
	v50 =	vadd.s32 $0x10, v41  }
0x91: {  	v52 =	vmovc v18;
	vm0 =	vlt.f32 v14, v18;
	v17 =	vand.u32 $0xE00, v31;
	v51 =	vadd.s32 $0x80, v49  }
0x92: {  	v18 =	vor.u32 v0, v17;
	vm1 =	vlt.f32 v44, v8;
	vm2 =	vlt.f32 v39, v5;
	v20 =	vld.idx.msk [tilespmem:v22+s1+$0x0], $0xffff  }
0x93: {  	s21 =	sshra.s32 s22, $0x2;
	v25 =	vsel vm1, v36, v32;
	v22 =	vsel vm0, v15, v13;
	v24 =	vsel vm2, v24, v21;
	v36 =	vld.idx.msk [tilespmem:v48+s1+$0x0], $0xffff  }
0x94: {  	v21 =	vsel vm0, v1, v0;
	v27 =	vadd.s32 $0x40, v25;
	vm0 =	vlt.f32 v22, v52;
	v17 =	vld [tilespmem:s21+$0x3090]  }
0x95: {  	vm1 =	vlt.f32 v42, v16;
	v22 =	vor.u32 $0x400, v21;
	vm2 =	vlt.f32 v19, v9;
	v38 =	vld.idx.msk [tilespmem:v50+s1+$0x0], $0xffff  }
0x96: {  	v35 =	vsel vm1, v33, v29;
	v29 =	vsel vm0, v22, v21;
	v23 =	vsel vm2, v40, v34;
	v22 =	vld.idx.msk [tilespmem:v51+s1+$0x0], $0xffff  }
0x97: {  	v37 =	vor.u32 $0x100, v35;
	v33 =	vor.u32 $0x200, v29;
	v26 =	vadd.s32 $0x20, v23;
	v40 =	vld.idx.msk [tilespmem:v18+s1+$0x0], $0xffff  }
0x98: {  	v34 =	vand.u32 $0xFFFFFF8F, v37;
	v18 =	vand.u32 $0xE00, v33;
	vm0 =	vlt.f32 v20, v10;
	v20 =	vld.idx.msk [tilespmem:v24+s10+$0x0], $0xffff  }
.Ltmp0:
0x99: {  	v42 =	vor.u32 v0, v18;
	v32 =	vsel vm0, v45, v43;
	vm0 =	vlt.f32 v36, v6;
	v39 =	vld.idx.msk [tilespmem:v27+s1+$0x0], $0xffff;
	(pc) =	sbr.rel @p0 .LBB2_2-.Ltmp0, $4  }
0x9a: {  	v43 =	vmul.f32 v30, v4;
	v4 =	vmovc v7;
	v36 =	vadd.s32 $0x80, v32;
	v21 =	vsel vm0, v48, v46;
	v19 =	vld.idx.msk [tilespmem:v24+s11+$0x0], $0xffff  }
0x9b: {  	v7 =	vmovc v9;
	v9 =	vmovc v11;
	v11 =	vmov v16;
	v24 =	vadd.s32 $0x10, v21;
	vm0 =	vlt.f32 v38, v4;
	v18 =	vld [tilespmem:s21+$0x3080]  }
0x9c: {  	vm1 =	vlt.f32 v22, v9;
	v30 =	vsel vm0, v50, v41;
	v22 =	vadd.f32 v47, v43;
	v38 =	vld.idx.msk [tilespmem:v26+s1+$0x0], $0xffff  }
0x9d: {  	s22 =	sadd.s32 $0x80, s22;
	v16 =	vmov v52;
	vm0 =	vlt.f32 v14, v17;
	v41 =	vld.idx.msk [tilespmem:v34+s1+$0x0], $0xffff;
	v34 =	vsel vm1, v51, v49  }
0x9e: {  	_ = 	snop  }
0x9f: {  	v43 =	vsel vm0, v15, v13  }
0xa0: {  	v44 =	vsel vm0, v1, v0;
	vm8 =	vlt.f32 v43, v17;
	vm1 =	vlt.f32 v14, v18  }
0xa1: {  	v47 =	vor.u32 $0x400, v44;
	v48 =	vsel vm1, v15, v13;
	v49 =	vsel vm1, v1, v0  }
0xa2: {  	v14 =	vsel vm8, v47, v44;
	vm9 =	vlt.f32 v48, v18;
	v50 =	vor.u32 $0x400, v49  }
0xa3: {  	v51 =	vor.u32 $0x200, v14;
	v13 =	vsel vm9, v50, v49  }
0xa4: {  	v52 =	vand.u32 $0xE00, v51;
	v53 =	vor.u32 $0x200, v13  }
0xa5: {  	v15 =	vor.u32 v0, v52;
	v45 =	vand.u32 $0xE00, v53  }
0xa6: {  	v45 =	vor.u32 v0, v45;
	_ =	sdelay $0x1  }
0xa7: {  	v42 =	vld.idx.msk [tilespmem:v42+s1+$0x0], $0xffff;
	_ =	sdelay $0x1  }
0xa8: {  	vm10 =	vlt.f32 v40, v12;
	v15 =	vld.idx.msk [tilespmem:v15+s1+$0x0], $0xffff  }
0xa9: {  	v28 =	vsel vm10, v31, v28;
	v54 =	vld.idx.msk [tilespmem:v45+s1+$0x0], $0xffff  }
0xaa: {  	v31 =	vor.u32 $0x100, v28  }
0xab: {  	v55 =	vand.u32 $0xFFFFFF8F, v31;
	vm11 =	vlt.f32 v42, v16  }
0xac: {  	v29 =	vsel vm11, v33, v29  }
0xad: {  	v33 =	vor.u32 $0x100, v29;
	vm12 =	vlt.f32 v15, v17  }
0xae: {  	v56 =	vand.u32 $0xFFFFFF8F, v33;
	v14 =	vsel vm12, v51, v14;
	vm13 =	vlt.f32 v54, v18  }
0xaf: {  	v57 =	vor.u32 $0x100, v14;
	v13 =	vsel vm13, v53, v13  }
0xb0: {  	v42 =	vld.idx.msk [tilespmem:v55+s1+$0x0], $0xffff;
	v58 =	vand.u32 $0xFFFFFF8F, v57;
	v44 =	vor.u32 $0x100, v13  }
0xb1: {  	v59 =	vand.u32 $0xFFFFFF8F, v44  }
0xb2: {  	vm14 =	vlt.f32 v41, v11  }
0xb3: {  	v35 =	vsel vm14, v37, v35;
	v15 =	vld.idx.msk [tilespmem:v56+s1+$0x0], $0xffff  }
0xb4: {  	v61 =	vadd.s32 $0x80, v35  }
0xb5: {  	vm15 =	vlt.f32 v42, v12;
	v60 =	vld.idx.msk [tilespmem:v58+s1+$0x0], $0xffff  }
0xb6: {  	v28 =	vsel vm15, v31, v28;
	v62 =	vld.idx.msk [tilespmem:v59+s1+$0x0], $0xffff  }
0xb7: {  	v31 =	vadd.s32 $0x80, v28  }
0xb8: {  	v63 =	vld.idx.msk [tilespmem:v36+s1+$0x0], $0xffff;
	vm4 =	vlt.f32 v15, v16  }
0xb9: {  	v49 =	vld.idx.msk [tilespmem:v61+s1+$0x0], $0xffff;
	v29 =	vsel vm4, v33, v29  }
0xba: {  	v33 =	vadd.s32 $0x80, v29;
	vm5 =	vlt.f32 v60, v17  }
0xbb: {  	v48 =	vadd.s32 $0x40, v34;
	v14 =	vsel vm5, v57, v14;
	vm6 =	vlt.f32 v62, v18  }
0xbc: {  	v50 =	vld.idx.msk [tilespmem:v31+s1+$0x0], $0xffff;
	v40 =	vadd.s32 $0x80, v14;
	v13 =	vsel vm6, v44, v13  }
0xbd: {  	vm7 =	vlt.f32 v63, v10;
	v44 =	vadd.s32 $0x80, v13  }
0xbe: {  	vm8 =	vlt.f32 v49, v11;
	v15 =	vsel vm7, v36, v32  }
0xbf: {  	v35 =	vsel vm8, v61, v35;
	v53 =	vadd.s32 $0x40, v15;
	v51 =	vld.idx.msk [tilespmem:v33+s1+$0x0], $0xffff  }
0xc0: {  	v52 =	vld.idx.msk [tilespmem:v48+s1+$0x0], $0xffff;
	v55 =	vadd.s32 $0x40, v35  }
0xc1: {  	vm10 =	vlt.f32 v50, v12;
	v54 =	vld.idx.msk [tilespmem:v40+s1+$0x0], $0xffff  }
0xc2: {  	vm9 =	vlt.f32 v39, v8;
	v28 =	vsel vm10, v31, v28;
	v56 =	vld.idx.msk [tilespmem:v44+s1+$0x0], $0xffff  }
0xc3: {  	v25 =	vsel vm9, v27, v25;
	v31 =	vadd.s32 $0x40, v28  }
0xc4: {  	v58 =	vld.idx.msk [tilespmem:v53+s1+$0x0], $0xffff;
	v57 =	vadd.s32 $0x20, v25;
	vm11 =	vlt.f32 v51, v16  }
0xc5: {  	vm12 =	vlt.f32 v52, v9;
	v60 =	vld.idx.msk [tilespmem:v55+s1+$0x0], $0xffff;
	v29 =	vsel vm11, v33, v29  }
0xc6: {  	v33 =	vsel vm12, v48, v34;
	v34 =	vadd.s32 $0x40, v29;
	vm13 =	vlt.f32 v54, v17  }
0xc7: {  	v59 =	vadd.s32 $0x20, v33;
	v14 =	vsel vm13, v40, v14;
	vm14 =	vlt.f32 v56, v18  }
0xc8: {  	v62 =	vld.idx.msk [tilespmem:v31+s1+$0x0], $0xffff;
	v40 =	vadd.s32 $0x40, v14;
	v13 =	vsel vm14, v44, v13  }
0xc9: {  	vm4 =	vlt.f32 v58, v10;
	v61 =	vld.idx.msk [tilespmem:v57+s1+$0x0], $0xffff;
	v63 =	vadd.s32 $0x40, v13  }
0xca: {  	v15 =	vsel vm4, v53, v15;
	v48 =	vld.idx.msk [tilespmem:v24+s1+$0x0], $0xffff;
	vm5 =	vlt.f32 v60, v11  }
0xcb: {  	v51 =	vadd.s32 $0x20, v15;
	v27 =	vsel vm5, v55, v35;
	v49 =	vld.idx.msk [tilespmem:v34+s1+$0x0], $0xffff  }
0xcc: {  	vm15 =	vlt.f32 v38, v7;
	v53 =	vadd.s32 $0x20, v27;
	v50 =	vld.idx.msk [tilespmem:v59+s1+$0x0], $0xffff  }
0xcd: {  	v23 =	vsel vm15, v26, v23;
	vm7 =	vlt.f32 v62, v12;
	v52 =	vld.idx.msk [tilespmem:v40+s1+$0x0], $0xffff  }
0xce: {  	v26 =	vadd.s32 $0x10, v23;
	v28 =	vsel vm7, v31, v28;
	vm6 =	vlt.f32 v61, v8;
	v54 =	vld.idx.msk [tilespmem:v63+s1+$0x0], $0xffff  }
0xcf: {  	v42 =	vld.idx.msk [tilespmem:v30+s11+$0x0], $0xffff;
	v25 =	vsel vm6, v57, v25;
	v57 =	vadd.s32 $0x20, v28  }
0xd0: {  	vm8 =	vlt.f32 v48, v6;
	v58 =	vld.idx.msk [tilespmem:v51+s1+$0x0], $0xffff;
	v55 =	vadd.s32 $0x10, v25;
	vm9 =	vlt.f32 v49, v16  }
0xd1: {  	v21 =	vsel vm8, v24, v21;
	v60 =	vld.idx.msk [tilespmem:v53+s1+$0x0], $0xffff;
	vm10 =	vlt.f32 v50, v9;
	v29 =	vsel vm9, v34, v29  }
0xd2: {  	v30 =	vld.idx.msk [tilespmem:v30+s10+$0x0], $0xffff;
	v33 =	vsel vm10, v59, v33;
	v34 =	vadd.s32 $0x20, v29;
	vm11 =	vlt.f32 v52, v17  }
0xd3: {  	v56 =	vld.idx.msk [tilespmem:v26+s1+$0x0], $0xffff;
	v59 =	vadd.s32 $0x10, v33;
	v14 =	vsel vm11, v40, v14;
	vm12 =	vlt.f32 v54, v18  }
0xd4: {  	v62 =	vld.idx.msk [tilespmem:v57+s1+$0x0], $0xffff;
	v40 =	vadd.s32 $0x20, v14;
	v13 =	vsel vm12, v63, v13  }
0xd5: {  	vm14 =	vlt.f32 v58, v10;
	v61 =	vld.idx.msk [tilespmem:v55+s1+$0x0], $0xffff;
	v63 =	vadd.s32 $0x20, v13  }
0xd6: {  	v44 =	vld.idx.msk [tilespmem:v21+s10+$0x0], $0xffff;
	v15 =	vsel vm14, v51, v15;
	vm15 =	vlt.f32 v60, v11  }
0xd7: {  	v37 =	vadd.s32 $0x10, v15;
	v27 =	vsel vm15, v53, v27;
	v48 =	vld.idx.msk [tilespmem:v34+s1+$0x0], $0xffff  }
0xd8: {  	v51 =	vadd.s32 $0x10, v27;
	vm13 =	vlt.f32 v56, v7;
	v49 =	vld.idx.msk [tilespmem:v59+s1+$0x0], $0xffff  }
0xd9: {  	v23 =	vsel vm13, v26, v23;
	v50 =	vld.idx.msk [tilespmem:v40+s1+$0x0], $0xffff  }
0xda: {  	vm5 =	vlt.f32 v62, v12;
	vm4 =	vlt.f32 v61, v8;
	v52 =	vld.idx.msk [tilespmem:v63+s1+$0x0], $0xffff  }
0xdb: {  	v21 =	vld.idx.msk [tilespmem:v21+s11+$0x0], $0xffff;
	v28 =	vsel vm5, v57, v28;
	v25 =	vsel vm4, v55, v25  }
0xdc: {  	v53 =	vld.idx.msk [tilespmem:v37+s1+$0x0], $0xffff;
	v32 =	vadd.s32 $0x10, v28;
	vm6 =	vlt.f32 v48, v16  }
0xdd: {  	v55 =	vld.idx.msk [tilespmem:v51+s1+$0x0], $0xffff;
	v29 =	vsel vm6, v34, v29  }
0xde: {  	v31 =	vld.idx.msk [tilespmem:v23+s11+$0x0], $0xffff;
	vm7 =	vlt.f32 v49, v9;
	v54 =	vadd.s32 $0x10, v29;
	vm8 =	vlt.f32 v50, v17  }
0xdf: {  	v23 =	vld.idx.msk [tilespmem:v23+s10+$0x0], $0xffff;
	v33 =	vsel vm7, v59, v33;
	v14 =	vsel vm8, v40, v14;
	vm9 =	vlt.f32 v52, v18  }
0xe0: {  	v56 =	vld.idx.msk [tilespmem:v25+s10+$0x0], $0xffff;
	v57 =	vadd.s32 $0x10, v14;
	v13 =	vsel vm9, v63, v13  }
0xe1: {  	v58 =	vld.idx.msk [tilespmem:v32+s1+$0x0], $0xffff;
	v59 =	vadd.s32 $0x10, v13  }
0xe2: {  	vm10 =	vlt.f32 v53, v10;
	v25 =	vld.idx.msk [tilespmem:v25+s11+$0x0], $0xffff  }
0xe3: {  	v15 =	vsel vm10, v37, v15;
	v60 =	vld.idx.msk [tilespmem:v54+s1+$0x0], $0xffff  }
0xe4: {  	vm11 =	vlt.f32 v55, v11;
	v61 =	vld.idx.msk [tilespmem:v33+s11+$0x0], $0xffff  }
0xe5: {  	v27 =	vsel vm11, v51, v27;
	v62 =	vld.idx.msk [tilespmem:v57+s1+$0x0], $0xffff  }
0xe6: {  	vm12 =	vlt.f32 v58, v12;
	v63 =	vld.idx.msk [tilespmem:v59+s1+$0x0], $0xffff  }
0xe7: {  	v33 =	vld.idx.msk [tilespmem:v33+s10+$0x0], $0xffff;
	v28 =	vsel vm12, v32, v28  }
0xe8: {  	v41 =	vld.idx.msk [tilespmem:v15+s10+$0x0], $0xffff;
	vm13 =	vlt.f32 v60, v16  }
0xe9: {  	v15 =	vld.idx.msk [tilespmem:v15+s11+$0x0], $0xffff;
	v24 =	vsel vm13, v54, v29  }
0xea: {  	v43 =	vld.idx.msk [tilespmem:v27+s11+$0x0], $0xffff;
	vm14 =	vlt.f32 v62, v17  }
0xeb: {  	v5 =	vmul.f32 v20, v5;
	v45 =	vld.idx.msk [tilespmem:v27+s10+$0x0], $0xffff;
	v14 =	vsel vm14, v57, v14;
	vm15 =	vlt.f32 v63, v18  }
0xec: {  	v4 =	vmul.f32 v30, v4;
	v46 =	vld.idx.msk [tilespmem:v28+s10+$0x0], $0xffff;
	v13 =	vsel vm15, v59, v13  }
0xed: {  	v5 =	vadd.f32 v19, v5;
	v47 =	vmul.f32 v44, v6;
	v48 =	vld.idx.msk [tilespmem:v28+s11+$0x0], $0xffff  }
0xee: {  	[tilespmem:s15+$0xB080] =	vst v22;
	v4 =	vadd.f32 v42, v4;
	v49 =	vmul.f32 v23, v7;
	v50 =	vld.idx.msk [tilespmem:v24+s11+$0x0], $0xffff  }
0xef: {  	[tilespmem:s16+$0xB090] =	vst v5;
	v5 =	vadd.f32 v21, v47;
	v51 =	vmul.f32 v56, v8;
	v52 =	vld.idx.msk [tilespmem:v24+s10+$0x0], $0xffff  }
0xf0: {  	[tilespmem:s16+$0xB080] =	vst v4;
	v4 =	vadd.f32 v31, v49;
	v53 =	vmul.f32 v33, v9;
	v54 =	vld.idx.msk [tilespmem:v14+s10+$0x0], $0xffff  }
0xf1: {  	[tilespmem:s17+$0xB090] =	vst v5;
	v5 =	vadd.f32 v25, v51;
	v55 =	vmul.f32 v41, v10;
	v56 =	vld.idx.msk [tilespmem:v13+s10+$0x0], $0xffff  }
0xf2: {  	[tilespmem:s17+$0xB080] =	vst v4;
	v4 =	vadd.f32 v61, v53;
	v57 =	vmul.f32 v45, v11;
	v58 =	vld.idx.msk [tilespmem:v14+s11+$0x0], $0xffff  }
0xf3: {  	[tilespmem:s18+$0xB090] =	vst v5;
	v5 =	vadd.f32 v15, v55;
	v59 =	vmul.f32 v46, v12;
	v60 =	vld.idx.msk [tilespmem:v13+s11+$0x0], $0xffff  }
0xf4: {  	[tilespmem:s18+$0xB080] =	vst v4;
	v4 =	vadd.f32 v43, v57;
	v61 =	vmul.f32 v52, v16  }
0xf5: {  	[tilespmem:s19+$0xB090] =	vst v5;
	v5 =	vadd.f32 v48, v59;
	v62 =	vmul.f32 v54, v17  }
0xf6: {  	[tilespmem:s19+$0xB080] =	vst v4;
	v4 =	vadd.f32 v50, v61;
	v63 =	vmul.f32 v56, v18  }
0xf7: {  	[tilespmem:s20+$0xB090] =	vst v5;
	v5 =	vadd.f32 v58, v62  }
0xf8: {  	s14 =	sadd.s32 $0x1, s14;
	[tilespmem:s20+$0xB080] =	vst v4;
	v4 =	vadd.f32 v60, v63  }
0xf9: {  	p0 =	sne.s32 s14, s8;
	[tilespmem:s21+$0xB090] =	vst v5  }
.Ltmp1:
0xfa: {  	[tilespmem:s21+$0xB080] =	vst v4;
	(pc) =	sbr.rel @p0 .LBB2_1-.Ltmp1, $4  }
0xfb: {  	[hbm4b:s7+s1] =	stream.linear.scatter [tilespmem:s13], [sflag:$0x1], $0x8000, $0x38;
	[tilespmem:$0x13080] =	vst v63  }
0xfc: {  	_ =	swait.ge [sflag:s9], $0x8000  }
0xfd: {  	[sflag:s9] =	ssyncset.done $0x0  }
0xfe: {  	[sflag:s9] =	ssyncadd.s32 $0xFFFF8000  }
0xff: {  	_ =	sfence.sel $0x180000  }
0x100: {  	[bflag:$0x0] =	sbarrier.arrive $0xFFFF  }
0x101: {  	p0 =	sne.s32 s2, $0x0;
	_ =	strace $0x90000047  }
0x102: {  	s0 =	sadd.s32 @!p0 $0x100000, s0;
	[bflag:$0x2] =	sbarrier.arrive $0xFFFF  }
0x103: {  	[sflag:s0] =	ssyncadd.tile.s32 @!p0 $0x1;
	_ =	shalt  }
.Lfunc_end2:
_tile_overlayer_lowered:
.L_overlay_start_2:
0x104: {  	(tag) =	ssettag $0x2  }
0x105: {  	s0 =	rddreg [dreg:$0x0];
	s2 =	stileid.u32  }
0x106: {  	s1 =	rddreg [dreg:$0x1];
	p0 =	sne.s32 s2, $0x0  }
0x107: {  	s3 =	rddreg [dreg:$0x2];
	[bflag:$0x3] =	sbarrier.arrive $0xFFFF;
	s2 =	simm.s32 @!p0 $0x1C01  }
0x108: {  	[timem:s3], [sflag:s2] =	dma.local @!p0 [hbm:s0], s1  }
0x109: {  	s0 =	simm.s32 @!p0 $0x1  }
0x10a: {  	_ =	swait.ge @!p0 [sflag:s0], s1  }
0x10b: {  	s1 =	ssub.s32 @!p0 $0x0, s1;
	[sflag:s0] =	ssyncset.done @!p0 $0x0  }
0x10c: {  	[sflag:s0] =	ssyncadd.s32 @!p0 s1  }
0x10d: {  	[bflag:$0x3] =	sbarrier.arrive $0xFFFF  }
0x10e: {  	_ =	shalt  }

</sc_bundles>
